<compile_context>
chip_gen: v7x
topology: tpu7x:2x2x1
jax: 0.10.2.dev20260603
libtpu: 0.0.44.dev20260713+nightly
codegen_flags: <defaults>
</compile_context>

<pallas_src>
import functools

import jax
import jax.numpy as jnp
from jax import lax
from jax.experimental import pallas as pl
from jax.experimental.pallas import tpu as pltpu
from jax.experimental.pallas import tpu_sc as plsc

_INFO = plsc.get_sparse_core_info()
_NS = _INFO.num_subcores
_L = _INFO.num_lanes
_NW = _NS


@functools.cache
def _build(B: int):
    assert B % (_NW * _L) == 0
    chunk = B // _NW
    nvec = chunk // _L
    mesh = plsc.VectorSubcoreMesh(
        core_axis_name="c", subcore_axis_name="s", num_cores=1)

    @functools.partial(
        pl.kernel,
        mesh=mesh,
        out_type=jax.ShapeDtypeStruct((B,), jnp.float32),
        scratch_types=[
            pltpu.VMEM((chunk,), jnp.int32),
            pltpu.VMEM((chunk,), jnp.float32),
            pltpu.VMEM((chunk,), jnp.float32),
            pltpu.VMEM((chunk,), jnp.float32),
            pltpu.VMEM((2 * _L,), jnp.float32),
            pltpu.SemaphoreType.DMA,
        ],
    )
    def sc_select(y_hbm, n0_hbm, n1_hbm, m_hbm, out_hbm,
                  y_v, n0_v, n1_v, o_v, m_v, sem):
        wid = lax.axis_index("s")
        base = wid * chunk
        sl_in = pl.ds(base, chunk)
        copies = [
            pltpu.async_copy(y_hbm.at[sl_in], y_v, sem),
            pltpu.async_copy(n0_hbm.at[sl_in], n0_v, sem),
            pltpu.async_copy(n1_hbm.at[sl_in], n1_v, sem),
            pltpu.async_copy(m_hbm, m_v, sem),
        ]
        for c in copies:
            c.wait()
        m0 = m_v[pl.ds(0, _L)]
        m1 = m_v[pl.ds(_L, _L)]
        def body(i, _):
            sl = pl.ds(i * _L, _L)
            o_v[sl] = jnp.where(y_v[sl] == 0, m0 + n0_v[sl], m1 + n1_v[sl])
            return 0

        lax.fori_loop(0, nvec, body, 0)
        pltpu.sync_copy(o_v, out_hbm.at[pl.ds(base, chunk)])

    return sc_select


def kernel(y, noise0, noise1, mean0, mean1):
    B = y.shape[0]
    m = jnp.concatenate([jnp.broadcast_to(mean0.astype(jnp.float32), (_L,)),
                         jnp.broadcast_to(mean1.astype(jnp.float32), (_L,))])
    out = _build(B)(y.astype(jnp.int32), noise0.reshape(B),
                    noise1.reshape(B), m)
    return out.reshape(B, 1)

# --- scband reference (transcript-rebuilt; emitter-appended) ---
"""Pipeline reference for scband-embedding-21088289423820 (READ-ONLY COPY).

The authoritative reference and input builder live on the scoring server;
editing this copy changes nothing except your own understanding.
"""

import jax, jax.numpy as jnp
import numpy as np


def setup_inputs(seed: int = 0) -> dict:
    key = jax.random.key(seed)
    B = 16384
    k1, k2, k3 = jax.random.split(key, 3)
    y = jax.random.randint(k1, (B,), 0, 2)
    # Pre-sampled standard-normal noise (stands in for Normal(0,1).sample in torch,
    # made explicit so the reference is deterministic).
    noise0 = jax.random.normal(k2, (B, 1), dtype=jnp.float32)
    noise1 = jax.random.normal(k3, (B, 1), dtype=jnp.float32)
    # Learned parameters (means); stds are non-learned buffers fixed at 1.0.
    mean0 = jnp.array(0.0, dtype=jnp.float32)
    mean1 = jnp.array(0.0, dtype=jnp.float32)
    return {"y": y, "noise0": noise0, "noise1": noise1, "mean0": mean0, "mean1": mean1}


def reference(y, noise0, noise1, mean0, mean1):
    std0 = jnp.array(1.0, dtype=jnp.float32)
    std1 = jnp.array(1.0, dtype=jnp.float32)
    B = y.shape[0]
    mask0 = (y == 0)[:, None]
    mask1 = (y == 1)[:, None]
    c_gen = jnp.zeros((B, 1), dtype=jnp.float32)
    # masked scatter-overwrite: c_gen[y==0] = mean0 + std0 * noise0[y==0]
    c_gen = jnp.where(mask0, mean0 + std0 * noise0, c_gen)
    # masked scatter-overwrite: c_gen[y==1] = mean1 + std1 * noise1[y==1]
    c_gen = jnp.where(mask1, mean1 + std1 * noise1, c_gen)
    return c_gen

if __name__ == "__main__":
    import jax
    _d = setup_inputs()
    print(jax.jit(kernel)(*tuple(_d.values())))

</pallas_src>

<mosaic_0001>
#map = affine_map<(d0, d1) -> (0)>
module attributes {stable_mosaic.version = 14 : i64} {
  func.func @sc_select(%arg0: i32, %arg1: i32, %arg2: memref<16384xi32, #tpu.memory_space<hbm>>, %arg3: memref<16384xf32, #tpu.memory_space<hbm>>, %arg4: memref<16384xf32, #tpu.memory_space<hbm>>, %arg5: memref<32xf32, #tpu.memory_space<hbm>>, %arg6: memref<16384xf32, #tpu.memory_space<hbm>>, %arg7: memref<1024xi32, #tpu.memory_space<vmem>>, %arg8: memref<1024xf32, #tpu.memory_space<vmem>>, %arg9: memref<1024xf32, #tpu.memory_space<vmem>>, %arg10: memref<1024xf32, #tpu.memory_space<vmem>>, %arg11: memref<32xf32, #tpu.memory_space<vmem>>, %arg12: memref<!tpu.dma_semaphore, #tpu.memory_space<semaphore_mem>>) attributes {dimension_semantics = [#tpu.dimension_semantics<core_parallel>, #tpu.dimension_semantics<subcore_parallel>], iteration_bounds = array<i64: 1, 16>, scalar_prefetch = 0 : i64, scratch_operands = 6 : i64, tpu.core_type = #tpu.core_type<sc_vector_subcore>, window_params = [{transform_indices = #map}, {transform_indices = #map}, {transform_indices = #map}, {transform_indices = #map}, {transform_indices = #map}]} {
    %mul3A = arith.constant 1024 : i32
    %mul3A_0 = arith.muli %arg1, %mul3A : i32
    %dma_start3A = tpu.memref_slice %arg2[%mul3A_0] : memref<16384xi32, #tpu.memory_space<hbm>> -> memref<1024xi32, #tpu.memory_space<hbm>>
    %dma_start3A_1 = tpu.memref_slice %arg2[%mul3A_0] : memref<16384xi32, #tpu.memory_space<hbm>> -> memref<1024xi32, #tpu.memory_space<hbm>>
    tpu.enqueue_dma source(%dma_start3A_1 : memref<1024xi32, #tpu.memory_space<hbm>>) target(%arg7 : memref<1024xi32, #tpu.memory_space<vmem>>) target_semaphore(%arg12 : memref<!tpu.dma_semaphore, #tpu.memory_space<semaphore_mem>>)
    %dma_start3A_2 = tpu.memref_slice %arg3[%mul3A_0] : memref<16384xf32, #tpu.memory_space<hbm>> -> memref<1024xf32, #tpu.memory_space<hbm>>
    %dma_start3A_3 = tpu.memref_slice %arg3[%mul3A_0] : memref<16384xf32, #tpu.memory_space<hbm>> -> memref<1024xf32, #tpu.memory_space<hbm>>
    tpu.enqueue_dma source(%dma_start3A_3 : memref<1024xf32, #tpu.memory_space<hbm>>) target(%arg8 : memref<1024xf32, #tpu.memory_space<vmem>>) target_semaphore(%arg12 : memref<!tpu.dma_semaphore, #tpu.memory_space<semaphore_mem>>)
    %dma_start3A_4 = tpu.memref_slice %arg4[%mul3A_0] : memref<16384xf32, #tpu.memory_space<hbm>> -> memref<1024xf32, #tpu.memory_space<hbm>>
    %dma_start3A_5 = tpu.memref_slice %arg4[%mul3A_0] : memref<16384xf32, #tpu.memory_space<hbm>> -> memref<1024xf32, #tpu.memory_space<hbm>>
    tpu.enqueue_dma source(%dma_start3A_5 : memref<1024xf32, #tpu.memory_space<hbm>>) target(%arg9 : memref<1024xf32, #tpu.memory_space<vmem>>) target_semaphore(%arg12 : memref<!tpu.dma_semaphore, #tpu.memory_space<semaphore_mem>>)
    tpu.enqueue_dma source(%arg5 : memref<32xf32, #tpu.memory_space<hbm>>) target(%arg11 : memref<32xf32, #tpu.memory_space<vmem>>) target_semaphore(%arg12 : memref<!tpu.dma_semaphore, #tpu.memory_space<semaphore_mem>>)
    %dma_wait3A = tpu.memref_slice %arg2[%mul3A_0] : memref<16384xi32, #tpu.memory_space<hbm>> -> memref<1024xi32, #tpu.memory_space<hbm>>
    %dma_wait3A_6 = tpu.memref_slice %arg2[%mul3A_0] : memref<16384xi32, #tpu.memory_space<hbm>> -> memref<1024xi32, #tpu.memory_space<hbm>>
    tpu.wait_dma2 semaphore(%arg12 : memref<!tpu.dma_semaphore, #tpu.memory_space<semaphore_mem>>) src(%dma_wait3A_6 : memref<1024xi32, #tpu.memory_space<hbm>>) dst(%arg7 : memref<1024xi32, #tpu.memory_space<vmem>>)
    %dma_wait3A_7 = tpu.memref_slice %arg3[%mul3A_0] : memref<16384xf32, #tpu.memory_space<hbm>> -> memref<1024xf32, #tpu.memory_space<hbm>>
    %dma_wait3A_8 = tpu.memref_slice %arg3[%mul3A_0] : memref<16384xf32, #tpu.memory_space<hbm>> -> memref<1024xf32, #tpu.memory_space<hbm>>
    tpu.wait_dma2 semaphore(%arg12 : memref<!tpu.dma_semaphore, #tpu.memory_space<semaphore_mem>>) src(%dma_wait3A_8 : memref<1024xf32, #tpu.memory_space<hbm>>) dst(%arg8 : memref<1024xf32, #tpu.memory_space<vmem>>)
    %dma_wait3A_9 = tpu.memref_slice %arg4[%mul3A_0] : memref<16384xf32, #tpu.memory_space<hbm>> -> memref<1024xf32, #tpu.memory_space<hbm>>
    %dma_wait3A_10 = tpu.memref_slice %arg4[%mul3A_0] : memref<16384xf32, #tpu.memory_space<hbm>> -> memref<1024xf32, #tpu.memory_space<hbm>>
    tpu.wait_dma2 semaphore(%arg12 : memref<!tpu.dma_semaphore, #tpu.memory_space<semaphore_mem>>) src(%dma_wait3A_10 : memref<1024xf32, #tpu.memory_space<hbm>>) dst(%arg9 : memref<1024xf32, #tpu.memory_space<vmem>>)
    tpu.wait_dma2 semaphore(%arg12 : memref<!tpu.dma_semaphore, #tpu.memory_space<semaphore_mem>>) src(%arg5 : memref<32xf32, #tpu.memory_space<hbm>>) dst(%arg11 : memref<32xf32, #tpu.memory_space<vmem>>)
    %get3A = arith.constant 0 : index
    %get3A_11 = tpu.vector_load %arg11[%get3A] {strides = array<i32>} : memref<32xf32, #tpu.memory_space<vmem>>, vector<16xf32>,
    %get3A_12 = vector.shape_cast %get3A_11 : vector<16xf32> to vector<16xf32>
    %get3A_13 = arith.constant 16 : index
    %get3A_14 = tpu.vector_load %arg11[%get3A_13] {strides = array<i32>} : memref<32xf32, #tpu.memory_space<vmem>>, vector<16xf32>,
    %get3A_15 = vector.shape_cast %get3A_14 : vector<16xf32> to vector<16xf32>
    %scan3A = arith.constant 0 : i32
    %scan3A_16 = arith.constant 0 : i32
    %scan3A_17 = arith.constant 64 : i32
    %scan3A_18 = arith.addi %scan3A_16, %scan3A_17 : i32
    %scan3A_19 = arith.constant 1 : i32
    %scan3A_20 = scf.for %scan3A_22 = %scan3A_16 to %scan3A_18 step %scan3A_19 iter_args(%scan3A_23 = %scan3A) -> (i32)  : i32 {
      %mul3A_24 = arith.constant 16 : i32
      %mul3A_25 = arith.muli %scan3A_22, %mul3A_24 : i32
      %get3A_26 = arith.index_cast %mul3A_25 : i32 to index
      %get3A_27 = tpu.vector_load %arg7[%get3A_26] {strides = array<i32>} : memref<1024xi32, #tpu.memory_space<vmem>>, vector<16xi32>,
      %get3A_28 = vector.shape_cast %get3A_27 : vector<16xi32> to vector<16xi32>
      %eq3A = arith.constant 0 : i32
      %eq3A_29 = vector.broadcast %eq3A : i32 to vector<16xi32>
      %eq3A_30 = arith.cmpi eq, %get3A_28, %eq3A_29 : vector<16xi32>
      %get3A_31 = arith.index_cast %mul3A_25 : i32 to index
      %get3A_32 = tpu.vector_load %arg8[%get3A_31] {strides = array<i32>} : memref<1024xf32, #tpu.memory_space<vmem>>, vector<16xf32>,
      %get3A_33 = vector.shape_cast %get3A_32 : vector<16xf32> to vector<16xf32>
      %add3A = arith.addf %get3A_12, %get3A_33 : vector<16xf32>
      %get3A_34 = arith.index_cast %mul3A_25 : i32 to index
      %get3A_35 = tpu.vector_load %arg9[%get3A_34] {strides = array<i32>} : memref<1024xf32, #tpu.memory_space<vmem>>, vector<16xf32>,
      %get3A_36 = vector.shape_cast %get3A_35 : vector<16xf32> to vector<16xf32>
      %add3A_37 = arith.addf %get3A_15, %get3A_36 : vector<16xf32>
      %select_n3A = arith.select %eq3A_30, %add3A, %add3A_37 : vector<16xi1>, vector<16xf32>
      %swap3A = arith.index_cast %mul3A_25 : i32 to index
      %swap3A_38 = tpu.vector_load %arg10[%swap3A] {strides = array<i32>} : memref<1024xf32, #tpu.memory_space<vmem>>, vector<16xf32>,
      %swap3A_39 = vector.shape_cast %swap3A_38 : vector<16xf32> to vector<16xf32>
      %swap3A_40 = vector.shape_cast %select_n3A : vector<16xf32> to vector<16xf32>
      tpu.vector_store %arg10[%swap3A], %swap3A_40 {strides = array<i32>} : memref<1024xf32, #tpu.memory_space<vmem>>, vector<16xf32>,
      %scan3A_41 = arith.constant 0 : i32
      scf.yield %scan3A_41 : i32
    }
    %scan3A_21 = arith.constant 64 : i32
    "tpu.region"() ({
      %run_scoped3A = tpu.sem_alloc : memref<!tpu.dma_semaphore, #tpu.memory_space<semaphore_mem>>
      %dma_start3A_22 = tpu.memref_slice %arg6[%mul3A_0] : memref<16384xf32, #tpu.memory_space<hbm>> -> memref<1024xf32, #tpu.memory_space<hbm>>
      %dma_start3A_23 = tpu.memref_slice %arg6[%mul3A_0] : memref<16384xf32, #tpu.memory_space<hbm>> -> memref<1024xf32, #tpu.memory_space<hbm>>
      tpu.enqueue_dma source(%arg10 : memref<1024xf32, #tpu.memory_space<vmem>>) target(%dma_start3A_23 : memref<1024xf32, #tpu.memory_space<hbm>>) target_semaphore(%run_scoped3A : memref<!tpu.dma_semaphore, #tpu.memory_space<semaphore_mem>>)
      %dma_wait3A_24 = tpu.memref_slice %arg6[%mul3A_0] : memref<16384xf32, #tpu.memory_space<hbm>> -> memref<1024xf32, #tpu.memory_space<hbm>>
      %dma_wait3A_25 = tpu.memref_slice %arg6[%mul3A_0] : memref<16384xf32, #tpu.memory_space<hbm>> -> memref<1024xf32, #tpu.memory_space<hbm>>
      tpu.wait_dma2 semaphore(%run_scoped3A : memref<!tpu.dma_semaphore, #tpu.memory_space<semaphore_mem>>) src(%arg10 : memref<1024xf32, #tpu.memory_space<vmem>>) dst(%dma_wait3A_25 : memref<1024xf32, #tpu.memory_space<hbm>>)
      tpu.yield
    }) : () -> ()
    return
  }
}

</mosaic_0001>

<sc_bundles>
// kernel: kernel.3.cloned.1.call-start
scs
__scs_entry_jumppad:
0x0: {  	(pc) =	sbr.rel $0x88, $3  }
0x1: {  	(tag) =	ssettag $0x0;
	lr =	simm.s32 $0x1  }
0x2: {  	[smem:$0x3F9C] =	sst lr;
	_ =	strace $0xD0000000  }
0x3: {  	_ = 	snop  }
0x4: {  	_ = 	snop  }
0x5: {  	_ = 	snop  }
0x6: {  	_ = 	snop  }
0x7: {  	_ = 	snop  }
__scs_overlays_trampoline_lowered:
0x8: {  	[smem:$0x3FAB] =	sst s0  }
0x9: {  	[smem:$0x3FAC] =	sst s1  }
0xa: {  	[smem:$0x3FAD] =	sst s2  }
0xb: {  	[smem:$0x3FAE] =	sst s3  }
0xc: {  	[smem:$0x3FAF] =	sst s4  }
0xd: {  	[smem:$0x3FB0] =	sst s5  }
0xe: {  	[smem:$0x3FB1] =	sst s6  }
0xf: {  	[smem:$0x3FB2] =	sst s7  }
0x10: {  	[smem:$0x3FB3] =	sst s8  }
0x11: {  	[smem:$0x3FB4] =	sst s9;
	s0 =	simm.s32 @!p0 $0x0  }
0x12: {  	s1 =	sld [smem:$0x3F9A];
	s0 =	simm.s32 @p0 $0x1  }
0x13: {  	[smem:$0x3FB5] =	sst s0;
	s0 =	simm.s32 @!p1 $0x0  }
0x14: {  	s2 =	sld [smem:$0x3F99];
	s0 =	simm.s32 @p1 $0x1  }
0x15: {  	[smem:$0x3FB6] =	sst s0;
	s0 =	simm.s32 @!p2 $0x0  }
0x16: {  	s3 =	sld [smem:$0x3FDB];
	s0 =	simm.s32 @p2 $0x1  }
0x17: {  	s4 =	simm.s32 $0x1BF5;
	[smem:$0x3FB8] =	sst s0  }
0x18: {  	s0 =	sld [smem:$0x3F9B];
	_ =	swait.ge [sflag:s4], $0x0  }
0x19: {  	s7 =	sld [smem:$0x3F9C]  }
0x1a: {  	s8 =	sadd.s32 $0xFFFFE003, lr  }
0x1b: {  	s9 =	sadd.s32 $0xFFFFFEF7, lr;
	s5 =	simm.s32 $0xFFFFFFFF;
	p2 =	slt.u32 s8, $0xFFFFF086  }
0x1c: {  	p1 =	slt.u32 s9, $0xF7A;
	s5 =	simm.s32 @!p2 $0x0  }
0x1d: {  	s5 =	simm.s32 @p1 $0x1;
	p0 =	seq.s32 s7, s2  }
0x1e: {  	s7 =	smul.u32 @!p0 $0xF7A, s2;
	p2 =	seq.s32 @!p0 s5, $0x0  }
0x1f: {  	s9 =	smul.u32 $0xF7A, s1;
	s8 =	simm.s32 @!p0 $0x1BF5;
	p2 =	por !p2, p0  }
0x20: {  	[sflag:s8] =	ssyncset.s32 @!p0 $0xFFFFF086;
	s6 =	sadd.s32 @!p0 s3, s7;
	s7 =	simm.s32 @!p0 $0x108  }
0x21: {  	s3 =	sadd.s32 s3, s9;
	s6 =	sadd.s32 @!p0 $0x88, s6;
	s7 =	simm.s32 @p2 $0x1082  }
0x22: {  	[simem:s7], [sflag:s8] =	dma.local @!p0 [hbm:s6], $0xF7A  }
0x23: {  	s9 =	sor.u32 $0xD0000000, s2;
	s6 =	simm.s32 $0x108;
	_ =	swait.ge @!p0 [sflag:s8], $0x0  }
0x24: {  	s3 =	sadd.s32 $0x88, s3;
	s6 =	simm.s32 @!p1 $0x1082;
	[sflag:s4] =	ssyncset.s32 $0xFFFFF086  }
0x25: {  	[simem:s6], [sflag:s4] =	dma.local [hbm:s3], $0xF7A  }
0x26: {  	[smem:$0x3F9C] =	sst s1;
	(tag) =	ssettag s2;
	_ =	strace s9  }
0x27: {  	s1 =	sld [smem:$0x3FAC]  }
0x28: {  	s2 =	sld [smem:$0x3FAD]  }
0x29: {  	s4 =	sld [smem:$0x3FAF]  }
0x2a: {  	p0 =	seq.s32 s5, $0x0;
	s5 =	sld [smem:$0x3FB0]  }
0x2b: {  	s6 =	sld [smem:$0x3FB1]  }
0x2c: {  	s7 =	sld [smem:$0x3FB2]  }
0x2d: {  	s3 =	simm.s32 $0x108;
	s8 =	sld [smem:$0x3FB3]  }
0x2e: {  	s3 =	simm.s32 @!p0 $0x1082;
	s9 =	sld [smem:$0x3FB4]  }
0x2f: {  	lr =	sadd.s32 s0, s3;
	s0 =	sld [smem:$0x3FAB]  }
0x30: {  	s3 =	sld [smem:$0x3FAE]  }
0x31: {  	[smem:$0x3FB7] =	sst s10  }
0x32: {  	s10 =	sld [smem:$0x3FB5];
	_ =	sdelay $0x3  }
0x33: {  	p0 =	seq.s32 s10, $0x1;
	s10 =	sld [smem:$0x3FB7];
	_ =	sdelay $0x3  }
0x34: {  	[smem:$0x3FB7] =	sst s10  }
0x35: {  	s10 =	sld [smem:$0x3FB6];
	_ =	sdelay $0x3  }
0x36: {  	p1 =	seq.s32 s10, $0x1;
	s10 =	sld [smem:$0x3FB7];
	_ =	sdelay $0x3  }
0x37: {  	[smem:$0x3FB7] =	sst s10  }
0x38: {  	s10 =	sld [smem:$0x3FB8]  }
0x39: {  	_ = 	snop;
	(pc) =	sbr.ind lr, $3  }
0x3a: {  	_ = 	snop  }
0x3b: {  	_ = 	snop  }
0x3c: {  	p2 =	seq.s32 s10, $0x1;
	s10 =	sld [smem:$0x3FB7]  }
0x3d: {  	_ =	shalt  }
0x3e: {  	_ =	shalt  }
0x3f: {  	_ =	shalt  }
0x40: {  	_ =	shalt  }
0x41: {  	_ =	shalt  }
0x42: {  	_ =	shalt  }
0x43: {  	_ =	shalt  }
0x44: {  	_ =	shalt  }
0x45: {  	_ =	shalt  }
0x46: {  	_ =	shalt  }
0x47: {  	_ =	shalt  }
0x48: {  	_ =	shalt  }
0x49: {  	_ =	shalt  }
0x4a: {  	_ =	shalt  }
0x4b: {  	_ =	shalt  }
0x4c: {  	_ =	shalt  }
0x4d: {  	_ =	shalt  }
0x4e: {  	_ =	shalt  }
0x4f: {  	_ =	shalt  }
0x50: {  	_ =	shalt  }
0x51: {  	_ =	shalt  }
0x52: {  	_ =	shalt  }
0x53: {  	_ =	shalt  }
0x54: {  	_ =	shalt  }
0x55: {  	_ =	shalt  }
0x56: {  	_ =	shalt  }
0x57: {  	_ =	shalt  }
0x58: {  	_ =	shalt  }
0x59: {  	_ =	shalt  }
0x5a: {  	_ =	shalt  }
0x5b: {  	_ =	shalt  }
0x5c: {  	_ =	shalt  }
0x5d: {  	_ =	shalt  }
0x5e: {  	_ =	shalt  }
0x5f: {  	_ =	shalt  }
0x60: {  	_ =	shalt  }
0x61: {  	_ =	shalt  }
0x62: {  	_ =	shalt  }
0x63: {  	_ =	shalt  }
0x64: {  	_ =	shalt  }
0x65: {  	_ =	shalt  }
0x66: {  	_ =	shalt  }
0x67: {  	_ =	shalt  }
0x68: {  	_ =	shalt  }
0x69: {  	_ =	shalt  }
0x6a: {  	_ =	shalt  }
0x6b: {  	_ =	shalt  }
0x6c: {  	_ =	shalt  }
0x6d: {  	_ =	shalt  }
0x6e: {  	_ =	shalt  }
0x6f: {  	_ =	shalt  }
0x70: {  	_ =	shalt  }
0x71: {  	_ =	shalt  }
0x72: {  	_ =	shalt  }
0x73: {  	_ =	shalt  }
0x74: {  	_ =	shalt  }
0x75: {  	_ =	shalt  }
0x76: {  	_ =	shalt  }
0x77: {  	_ =	shalt  }
0x78: {  	_ =	shalt  }
0x79: {  	_ =	shalt  }
0x7a: {  	_ =	shalt  }
0x7b: {  	_ =	shalt  }
0x7c: {  	_ =	shalt  }
0x7d: {  	_ =	shalt  }
0x7e: {  	_ =	shalt  }
0x7f: {  	_ =	shalt  }
0x80: {  	_ =	shalt  }
0x81: {  	_ =	shalt  }
0x82: {  	_ =	shalt  }
0x83: {  	_ =	shalt  }
0x84: {  	_ =	shalt  }
0x85: {  	_ =	shalt  }
0x86: {  	_ =	shalt  }
0x87: {  	_ =	shalt  }
.Lfunc_end0:
.L_simem_size_0:
called_computation_lowered:
.L_overlay_start_0:
0x88: {  	s0 =	sld [smem:$0x3FD9]  }
0x89: {  	s1 =	sld [smem:$0x3FFE];
	_ =	sdelay $0x3  }
0x8a: {  	s0 =	sadd.s32 s1, s0  }
0x8b: {  	[smem:$0x3FC3] =	sst s0  }
0x8c: {  	_ = 	snop  }
0x8d: {  	s0 =	sld [smem:$0x3FC9]  }
0x8e: {  	s16 =	sld [smem:$0x3FC8]  }
0x8f: {  	s2 =	sld [smem:$0x3FC7]  }
0x90: {  	s3 =	sld [smem:$0x3FD0];
	(tm) =	ssettm $0x1  }
0x91: {  	s4 =	sld [smem:$0x3FFB];
	_ =	sdelay $0x3  }
0x92: {  	_ =	strace s4  }
0x93: {  	s4 =	sld [smem:$0x3FFC];
	_ =	sdelay $0x3  }
0x94: {  	_ =	strace s4  }
0x95: {  	s4 =	sld [smem:$0x3FFD];
	_ =	sdelay $0x3  }
0x96: {  	_ =	strace s4  }
0x97: {  	_ =	strace $0x8FFFFFFF  }
0x98: {  	s17 =	sld [smem:$0x3FDB];
	_ =	sdelay $0x1  }
0x99: {  	s5 =	simm.s32 $_scs_section_size  }
0x9a: {  	s6 =	simm.s32 $_size__tile_overlayer_lowered;
	s7 =	simm.s32 $_tile_overlayer_lowered  }
0x9b: {  	s20 =	simm.s32 $0x1BFF;
	s19 =	sshll.u32 s7, $0x1;
	s4 =	sadd.s32 s5, s17  }
0x9c: {  	s8 =	simm.s32 $0x0;
	s18 =	sshll.u32 s6, $0x1;
	s6 =	sadd.s32 s19, s4  }
0x9d: {  	[timem:s8], [sflag:s20] =	dma.local [hbm:s6], s18  }
0x9e: {  	_ =	swait.ge [sflag:s20], s18  }
0x9f: {  	s5 =	ssub.s32 $0x0, s18;
	[sflag:s20] =	ssyncset.done $0x0  }
0xa0: {  	[sflag:s20] =	ssyncadd.s32 s5;
	_ =	sdelay $0x1  }
0xa1: {  	s21 =	simm.s32 $0x1B8B  }
0xa2: {  	_ =	swait.ge [sflag:s21], $0x1  }
0xa3: {  	[sflag:s21] =	ssyncset.done $0x0  }
0xa4: {  	s23 =	simm.s32 $0x1B8E;
	s22 =	sld [smem:$0x3FFE];
	[sflag:s21] =	ssyncadd.s32 $0xFFFFFFFF  }
0xa5: {  	s24 =	simm.s32 $execute0_lowered;
	[smem:$0x3FD2] =	sst s23  }
0xa6: {  	s6 =	sshll.u32 s24, $0x1;
	_ =	strace $0x80000046;
	[dreg:$0x1] =	wrdreg $0xFFFFFFFF  }
0xa7: {  	s25 =	simm.s32 $_size_execute0_lowered;
	s4 =	sadd.s32 s4, s6;
	[dreg:$0x0] =	wrdreg $0x0  }
0xa8: {  	s6 =	sshll.u32 s25, $0x1;
	[dreg:$0x2] =	wrdreg s4  }
0xa9: {  	[dreg:$0x3] =	wrdreg s6  }
0xaa: {  	[dreg:$0x4] =	wrdreg $0xC0  }
0xab: {  	_ =	task [dreg:s8], $0x5FFFF  }
0xac: {  	[dreg:$0x1] =	wrdreg $0xFFFFFFFF  }
0xad: {  	[dreg:$0x0] =	wrdreg $0x60  }
0xae: {  	[dreg:$0x2] =	wrdreg s0  }
0xaf: {  	[dreg:$0x3] =	wrdreg s16  }
0xb0: {  	[dreg:$0x4] =	wrdreg s2  }
0xb1: {  	[dreg:$0x5] =	wrdreg s22  }
0xb2: {  	[dreg:$0x6] =	wrdreg s3  }
0xb3: {  	[dreg:$0x7] =	wrdreg $0x9  }
0xb4: {  	_ =	task.clear_ibuf [dreg:s8], $0x8FFFF;
	_ =	strace $0x90000046  }
0xb5: {  	s26 =	simm.s32 $0x9;
	_ =	strace $0x80000048  }
0xb6: {  	_ =	swait.ge [sflag:s26], $0x1  }
0xb7: {  	[sflag:s26] =	ssyncadd.s32 $0xFFFFFFFF  }
0xb8: {  	_ =	strace $0x90000048  }
0xb9: {  	_ =	sfence  }
0xba: {  	s28 =	sld [smem:$0x0];
	_ =	sdelay $0x1  }
0xbb: {  	s29 =	srdreg.scid  }
0xbc: {  	s30 =	sshll.u32 s29, $0xD;
	s31 =	sshrl.u32 s29, $0x2  }
0xbd: {  	s1 =	sand.u32 $0x1, s29;
	s2 =	sand.u32 $0x4000, s30;
	s0 =	sadd.s32 s31, s28  }
0xbe: {  	s1 =	sor.u32 s2, s1;
	s0 =	sshll.u32 s0, $0x11  }
0xbf: {  	s0 =	sor.u32 s0, s1  }
0xc0: {  	s0 =	sadd.s32 $0x8F2B, s0  }
0xc1: {  	[sflag:s0] =	ssyncadd.remote.s32 $0x1  }
0xc2: {  	_ =	sfence.sel $0xFFFF  }
0xc3: {  	[dreg:$0x0] =	wrdreg $0xFFFFFFFF;
	(pc) =	sbr.abs _section_cstart, $3  }
0xc4: {  	[dreg:$0x1] =	wrdreg $0xFFFFFFFF  }
0xc5: {  	_ =	task.clear_ibuf [dreg:s8], $0x2FFFF;
	_ =	strace $0x9FFFFFFF  }
0xc6: {  	(tm) =	ssettm $0x7FFFFFFF  }
0xc7: {  	_ =	shalt  }
tec
execute0_lowered:
.L_overlay_start_1:
0x0: {  	(tag) =	ssettag $0x1  }
0x1: {  	s4 =	rddreg [dreg:$0x0]  }
0x2: {  	s5 =	rddreg [dreg:$0x1]  }
0x3: {  	s6 =	rddreg [dreg:$0x2]  }
0x4: {  	s7 =	rddreg [dreg:$0x3]  }
0x5: {  	s2 =	rddreg [dreg:$0x4];
	s8 =	simm.s32 $0x0;
	s1 =	stileid.u32  }
0x6: {  	[smem:$0x7FF] =	sst s8;
	s3 =	sshll.u32 s1, $0x7  }
0x7: {  	s0 =	rddreg [dreg:$0x5];
	_ =	strace $0x80000047;
	s4 =	sadd.s32 s4, s3  }
0x8: {  	[tilespmem:s8], [sflag:$0x1] =	stream.linear.gather [hbm4b:s4+s8], $0x400, $0x38;
	[tilespmem:$0x1080] =	vst v63  }
0x9: {  	s25 =	simm.s32 $0x400;
	s24 =	sadd.s32 s5, s3  }
0xa: {  	[tilespmem:s25], [sflag:$0x1] =	stream.linear.gather [hbm4b:s24+s8], $0x400, $0x38;
	[tilespmem:$0x1080] =	vst v63  }
0xb: {  	s28 =	simm.s32 $0x800;
	s26 =	sadd.s32 s6, s3  }
0xc: {  	[tilespmem:s28], [sflag:$0x1] =	stream.linear.gather [hbm4b:s26+s8], $0x400, $0x38;
	[tilespmem:$0x1080] =	vst v63  }
0xd: {  	s30 =	simm.s32 $0x1000;
	s31 =	simm.s32 $0x1;
	s29 =	sadd.s32 $0x400, s7  }
0xe: {  	[tilespmem:s30], [sflag:$0x1] =	stream.linear.gather [hbm4b:s29+s8], $0x80, $0x38;
	[tilespmem:$0x1080] =	vst v63  }
0xf: {  	_ =	swait.ge [sflag:s31], $0x400  }
0x10: {  	[sflag:s31] =	ssyncset.done $0x0  }
0x11: {  	[sflag:s31] =	ssyncadd.s32 $0xFFFFFC00  }
0x12: {  	_ =	swait.ge [sflag:s31], $0x400  }
0x13: {  	[sflag:s31] =	ssyncset.done $0x0  }
0x14: {  	[sflag:s31] =	ssyncadd.s32 $0xFFFFFC00  }
0x15: {  	_ =	swait.ge [sflag:s31], $0x400  }
0x16: {  	[sflag:s31] =	ssyncset.done $0x0  }
0x17: {  	[sflag:s31] =	ssyncadd.s32 $0xFFFFFC00  }
0x18: {  	_ =	swait.ge [sflag:s31], $0x80  }
0x19: {  	[sflag:s31] =	ssyncset.done $0x0  }
0x1a: {  	[sflag:s31] =	ssyncadd.s32 $0xFFFFFF80  }
0x1b: {  	v0 =	vld [tilespmem:$0x1000]  }
0x1c: {  	s4 =	simm.s32 $0x0;
	v1 =	vld [tilespmem:$0x1010]  }
0x1d: {  	v2 =	vld [tilespmem:s4+$0x400]  }
0x1e: {  	v3 =	vld [tilespmem:s4+$0x800]  }
0x1f: {  	v4 =	vld [tilespmem:s4+$0x0]  }
0x20: {  	s5 =	simm.s32 $0x40  }
.LBB2_1:
0x21: {  	p0 =	sne.s32 s5, $0xFC0  }
.Ltmp0:
0x22: {  	s6 =	sshra.s32 s5, $0x2;
	(pc) =	sbr.rel @p0 .LBB2_1-.Ltmp0, $4  }
0x23: {  	s5 =	sadd.s32 $0x40, s5;
	v5 =	vadd.f32 v2, v0;
	v2 =	vld [tilespmem:s6+$0x400];
	v6 =	vadd.f32 v3, v1  }
0x24: {  	v3 =	vld [tilespmem:s6+$0x800];
	vm0 =	veq.s32 v4, $0x0  }
0x25: {  	v4 =	vld [tilespmem:s6+$0x0];
	v5 =	vsel vm0, v5, v6  }
0x26: {  	[tilespmem:s4+$0xC00] =	vst v5;
	s4 =	smov.u32 s6  }
0x27: {  	_ =	sdelay $0x1  }
0x28: {  	v0 =	vadd.f32 v2, v0;
	v1 =	vadd.f32 v3, v1  }
0x29: {  	vm0 =	veq.s32 v4, $0x0  }
0x2a: {  	s2 =	sadd.s32 s2, s3;
	v0 =	vsel vm0, v0, v1  }
0x2b: {  	s29 =	simm.s32 $0x0;
	s30 =	simm.s32 $0xC00;
	s31 =	simm.s32 $0x2;
	[tilespmem:s4+$0xC00] =	vst v0  }
0x2c: {  	[hbm4b:s2+s29] =	stream.linear.scatter [tilespmem:s30], [sflag:$0x2], $0x400, $0x38;
	[tilespmem:$0x1080] =	vst v63  }
0x2d: {  	_ =	swait.ge [sflag:s31], $0x400  }
0x2e: {  	[sflag:s31] =	ssyncset.done $0x0  }
0x2f: {  	[sflag:s31] =	ssyncadd.s32 $0xFFFFFC00  }
0x30: {  	_ =	sfence.sel $0x180000  }
0x31: {  	[bflag:$0x0] =	sbarrier.arrive $0xFFFF  }
0x32: {  	p0 =	sne.s32 s1, $0x0;
	_ =	strace $0x90000047  }
0x33: {  	s0 =	sadd.s32 @!p0 $0x100000, s0;
	[bflag:$0x2] =	sbarrier.arrive $0xFFFF  }
0x34: {  	[sflag:s0] =	ssyncadd.tile.s32 @!p0 $0x1;
	_ =	shalt  }
.Lfunc_end2:
_tile_overlayer_lowered:
.L_overlay_start_2:
0x35: {  	(tag) =	ssettag $0x2  }
0x36: {  	s0 =	rddreg [dreg:$0x0];
	s2 =	stileid.u32  }
0x37: {  	s1 =	rddreg [dreg:$0x1];
	p0 =	sne.s32 s2, $0x0  }
0x38: {  	s3 =	rddreg [dreg:$0x2];
	[bflag:$0x3] =	sbarrier.arrive $0xFFFF;
	s2 =	simm.s32 @!p0 $0x1C02  }
0x39: {  	[timem:s3], [sflag:s2] =	dma.local @!p0 [hbm:s0], s1  }
0x3a: {  	s0 =	simm.s32 @!p0 $0x2  }
0x3b: {  	_ =	swait.ge @!p0 [sflag:s0], s1  }
0x3c: {  	s1 =	ssub.s32 @!p0 $0x0, s1;
	[sflag:s0] =	ssyncset.done @!p0 $0x0  }
0x3d: {  	[sflag:s0] =	ssyncadd.s32 @!p0 s1  }
0x3e: {  	[bflag:$0x3] =	sbarrier.arrive $0xFFFF  }
0x3f: {  	_ =	shalt  }

</sc_bundles>
